<compile_context>
chip_gen: v7x
topology: tpu7x:2x2x1
jax: 0.10.2.dev20260603
libtpu: 0.0.44.dev20260713+nightly
codegen_flags: <defaults>
</compile_context>

<pallas_src>
import functools

import jax
import jax.numpy as jnp
from jax import lax
from jax.experimental import pallas as pl
from jax.experimental.pallas import tpu as pltpu
from jax.experimental.pallas import tpu_sc as plsc

VOCAB = 1000000
D = 32
H = 128
T = 9
B = 4096
L = 50

NC = 2
NS = 16
NW = NC * NS
BL = B * L
PER_W = BL // NW
CHUNK = 128
NCH = PER_W // CHUNK

_REPACK_ROWS = 4096
_REPACK_GRID = -(-VOCAB // _REPACK_ROWS)
VOCAB_PAD = _REPACK_GRID * _REPACK_ROWS


def _repack_body(src_ref, eye_ref, dst_ref):
    q = _REPACK_ROWS // 4
    acc = jnp.zeros((q, 4 * D), jnp.float32)
    for k in range(4):
        acc = acc + jax.lax.dot_general(
            src_ref[:, k * q:(k + 1) * q], eye_ref[k],
            (((0,), (0,)), ((), ())),
            preferred_element_type=jnp.float32,
        )
    dst_ref[...] = acc


def _repack_table(emb_table_t):
    eye = (jnp.arange(4 * D)[None, None, :]
           == jnp.arange(4)[:, None, None] * D
           + jnp.arange(D)[None, :, None]).astype(jnp.float32)
    return pl.pallas_call(
        _repack_body,
        grid=(_REPACK_GRID,),
        in_specs=[
            pl.BlockSpec((D, _REPACK_ROWS), lambda i: (0, i)),
            pl.BlockSpec((4, D, 4 * D), lambda i: (0, 0, 0)),
        ],
        out_specs=pl.BlockSpec((_REPACK_ROWS // 4, 4 * D), lambda i: (i, 0)),
        out_shape=jax.ShapeDtypeStruct((VOCAB_PAD // 4, 4 * D), jnp.float32),
        compiler_params=pltpu.CompilerParams(
            dimension_semantics=("arbitrary",),
        ),
    )(emb_table_t, eye)


@functools.cache
def _sc_gather_fn():
    mesh = plsc.VectorSubcoreMesh(core_axis_name="c", subcore_axis_name="s")
    return pl.kernel(
        _sc_gather_body,
        mesh=mesh,
        out_type=jax.ShapeDtypeStruct((BL, 4 * D), jnp.float32),
        scratch_types=[
            pltpu.VMEM((NCH, CHUNK), jnp.int32),
            pltpu.VMEM((2, CHUNK, D), jnp.float32),
            pltpu.SemaphoreType.DMA,
            pltpu.SemaphoreType.DMA,
        ],
        compiler_params=pltpu.CompilerParams(use_tc_tiling_on_sc=False),
    )


def _sc_gather_body(table_hbm, idx_hbm, out_hbm, idx_v, rows_v, sem0, sem1):
    wid = lax.axis_index("s") * NC + lax.axis_index("c")
    base = wid * PER_W
    pltpu.sync_copy(idx_hbm.at[wid], idx_v)

    pltpu.async_copy(table_hbm.at[idx_v.at[0]], rows_v.at[0], sem0)

    def body(jj, _):
        j0 = jj * 2
        pltpu.async_copy(table_hbm.at[idx_v.at[j0 + 1]], rows_v.at[1], sem1)
        pltpu.make_async_copy(
            table_hbm.at[idx_v.at[j0]], rows_v.at[0], sem0
        ).wait()
        pltpu.sync_copy(
            rows_v.at[0],
            out_hbm.at[pl.ds(base + j0 * CHUNK, CHUNK), pl.ds(0, D)],
        )

        @pl.when(j0 + 2 < NCH)
        def _():
            pltpu.async_copy(table_hbm.at[idx_v.at[j0 + 2]], rows_v.at[0], sem0)

        pltpu.make_async_copy(
            table_hbm.at[idx_v.at[j0 + 1]], rows_v.at[1], sem1
        ).wait()
        pltpu.sync_copy(
            rows_v.at[1],
            out_hbm.at[pl.ds(base + (j0 + 1) * CHUNK, CHUNK), pl.ds(0, D)],
        )
        return 0

    lax.fori_loop(0, NCH // 2, body, 0)


def _lstm_body(x_ref, wih_ref, whh_ref, b_ref, wfc_ref, bfc_ref, out_ref,
               h_scr, c_scr):
    t = pl.program_id(0)

    @pl.when(t == 0)
    def _():
        h_scr[...] = jnp.zeros_like(h_scr)
        c_scr[...] = jnp.zeros_like(c_scr)

    x_t = x_ref[0][:, :D]
    h = h_scr[...]
    gates = (
        jnp.dot(x_t, wih_ref[...], preferred_element_type=jnp.float32)
        + jnp.dot(h, whh_ref[...], preferred_element_type=jnp.float32)
        + b_ref[...]
    )

    def sig(v):
        return 0.5 * jnp.tanh(0.5 * v) + 0.5

    i = sig(gates[:, :H])
    f = sig(gates[:, H:2 * H])
    g = jnp.tanh(gates[:, 2 * H:3 * H])
    o = sig(gates[:, 3 * H:])
    c = f * c_scr[...] + i * g
    h = o * jnp.tanh(c)
    h_scr[...] = h
    c_scr[...] = c

    logits = jnp.dot(h, wfc_ref[...], preferred_element_type=jnp.float32) + bfc_ref[...]
    m = jnp.max(logits, axis=-1, keepdims=True)
    lse = jnp.log(jnp.sum(jnp.exp(logits - m), axis=-1, keepdims=True)) + m
    out_ref[0] = logits - lse


def _lstm_fc(x, wih_t, whh_t, b, wfc_t, bfc):
    return pl.pallas_call(
        _lstm_body,
        grid=(L,),
        in_specs=[
            pl.BlockSpec((1, B, 4 * D), lambda t: (t, 0, 0)),
            pl.BlockSpec((D, 4 * H), lambda t: (0, 0)),
            pl.BlockSpec((H, 4 * H), lambda t: (0, 0)),
            pl.BlockSpec((1, 4 * H), lambda t: (0, 0)),
            pl.BlockSpec((H, T), lambda t: (0, 0)),
            pl.BlockSpec((1, T), lambda t: (0, 0)),
        ],
        out_specs=pl.BlockSpec((1, B, T), lambda t: (t, 0, 0)),
        out_shape=jax.ShapeDtypeStruct((L, B, T), jnp.float32),
        scratch_shapes=[
            pltpu.VMEM((B, H), jnp.float32),
            pltpu.VMEM((B, H), jnp.float32),
        ],
        compiler_params=pltpu.CompilerParams(
            dimension_semantics=("arbitrary",),
        ),
    )(x, wih_t, whh_t, b, wfc_t, bfc)


def kernel(sentences, labels, emb_table, W_ih, W_hh, b_ih, b_hh, W_fc, b_fc):
    del labels
    idx = jnp.swapaxes(sentences, 0, 1).astype(jnp.int32)
    q = _REPACK_ROWS // 4
    rem = idx % _REPACK_ROWS
    idx = (idx // _REPACK_ROWS * q + idx % q) * 4 + rem // q
    idx = idx.reshape(NW, NCH, CHUNK)
    emb_lin = _repack_table(jnp.swapaxes(emb_table, 0, 1)).reshape(VOCAB_PAD, D)
    x_pad = _sc_gather_fn()(emb_lin, idx)
    x = x_pad.reshape(L, B, 4 * D)

    wih_t = W_ih.T
    whh_t = W_hh.T
    b = (b_ih + b_hh).reshape(1, 4 * H)
    wfc_t = W_fc.T
    bfc = b_fc.reshape(1, T)

    out_lbt = _lstm_fc(x, wih_t, whh_t, b, wfc_t, bfc)
    return jnp.swapaxes(out_lbt, 0, 1)

# --- scband reference (transcript-rebuilt; emitter-appended) ---
"""Pipeline reference for scband-model-30803505447282 (READ-ONLY COPY).

The authoritative reference and input builder live on the scoring server;
editing this copy changes nothing except your own understanding.
"""

import jax, jax.numpy as jnp
import numpy as np

VOCAB = 1000000
D = 32
H = 128
T = 9
B = 4096
L = 50


def setup_inputs(seed: int = 0) -> dict:
    key = jax.random.key(seed)
    ks = jax.random.split(key, 9)
    sentences = jax.random.randint(ks[0], (B, L), 0, VOCAB)
    labels = jax.random.randint(ks[1], (B, L), 0, T)
    emb_table = jax.random.normal(ks[2], (VOCAB, D), dtype=jnp.float32) * 0.1
    W_ih = jax.random.normal(ks[3], (4 * H, D), dtype=jnp.float32) * 0.05
    W_hh = jax.random.normal(ks[4], (4 * H, H), dtype=jnp.float32) * 0.05
    b_ih = jnp.zeros((4 * H,), dtype=jnp.float32)
    b_hh = jnp.zeros((4 * H,), dtype=jnp.float32)
    W_fc = jax.random.normal(ks[5], (T, H), dtype=jnp.float32) * 0.05
    b_fc = jnp.zeros((T,), dtype=jnp.float32)
    return {
        "sentences": sentences,
        "labels": labels,
        "emb_table": emb_table,
        "W_ih": W_ih,
        "W_hh": W_hh,
        "b_ih": b_ih,
        "b_hh": b_hh,
        "W_fc": W_fc,
        "b_fc": b_fc,
    }


def reference(sentences, labels, emb_table, W_ih, W_hh, b_ih, b_hh, W_fc, b_fc):
    # GloVe-path: embedding lookup over a large (padded/truncated) id matrix
    x = jnp.take(emb_table, sentences, axis=0)  # [B, L, D]
    # (dropout is identity at inference)
    # nn.LSTM(batch_first=True), single layer, gate order i, f, g, o (PyTorch)
    Bdim = x.shape[0]
    h0 = jnp.zeros((Bdim, H), dtype=x.dtype)
    c0 = jnp.zeros((Bdim, H), dtype=x.dtype)

    def step(carry, x_t):
        h, c = carry
        gates = x_t @ W_ih.T + h @ W_hh.T + b_ih + b_hh
        i, f, g, o = jnp.split(gates, 4, axis=-1)
        i = jax.nn.sigmoid(i)
        f = jax.nn.sigmoid(f)
        g = jnp.tanh(g)
        o = jax.nn.sigmoid(o)
        c = f * c + i * g
        h = o * jnp.tanh(c)
        return (h, c), h

    xs = jnp.swapaxes(x, 0, 1)  # [L, B, D]
    (_, _), hs = jax.lax.scan(step, (h0, c0), xs)
    hs = jnp.swapaxes(hs, 0, 1)  # [B, L, H]
    logits = hs @ W_fc.T + b_fc  # [B, L, T]
    return jax.nn.log_softmax(logits, axis=-1)

if __name__ == "__main__":
    import jax
    _d = setup_inputs()
    print(jax.jit(kernel)(*tuple(_d.values())))

</pallas_src>

<mosaic_0001>
#map = affine_map<(d0, d1) -> (0, 0)>
#map1 = affine_map<(d0, d1) -> (0, 0, 0)>
module attributes {stable_mosaic.version = 14 : i64} {
  func.func @_sc_gather_body(%arg0: i32, %arg1: i32, %arg2: memref<1003520x32xf32, #tpu.memory_space<hbm>>, %arg3: memref<32x50x128xi32, #tpu.memory_space<hbm>>, %arg4: memref<204800x128xf32, #tpu.memory_space<hbm>>, %arg5: memref<50x128xi32, #tpu.memory_space<vmem>>, %arg6: memref<2x128x32xf32, #tpu.memory_space<vmem>>, %arg7: memref<!tpu.dma_semaphore, #tpu.memory_space<semaphore_mem>>, %arg8: memref<!tpu.dma_semaphore, #tpu.memory_space<semaphore_mem>>) attributes {dimension_semantics = [#tpu.dimension_semantics<core_parallel>, #tpu.dimension_semantics<subcore_parallel>], iteration_bounds = array<i64: 2, 16>, scalar_prefetch = 0 : i64, scratch_operands = 4 : i64, tpu.core_type = #tpu.core_type<sc_vector_subcore>, window_params = [{transform_indices = #map}, {transform_indices = #map1}, {transform_indices = #map}]} {
    %mul3A = arith.constant 2 : i32
    %mul3A_0 = arith.muli %arg1, %mul3A : i32
    %add3A = arith.addi %mul3A_0, %arg0 : i32
    %mul3A_1 = arith.constant 6400 : i32
    %mul3A_2 = arith.muli %add3A, %mul3A_1 : i32
    "tpu.region"() ({
      %run_scoped3A = tpu.sem_alloc : memref<!tpu.dma_semaphore, #tpu.memory_space<semaphore_mem>>
      %dma_start3A_20 = arith.constant 0 : i32
      %dma_start3A_21 = arith.constant 0 : i32
      %dma_start3A_22 = tpu.memref_slice %arg3[%add3A, %dma_start3A_20, %dma_start3A_21] : memref<32x50x128xi32, #tpu.memory_space<hbm>> -> memref<1x50x128xi32, #tpu.memory_space<hbm>>
      %dma_start3A_23 = tpu.memref_squeeze %dma_start3A_22 : memref<1x50x128xi32, #tpu.memory_space<hbm>> -> memref<50x128xi32, #tpu.memory_space<hbm>>
      %dma_start3A_24 = arith.constant 0 : i32
      %dma_start3A_25 = arith.constant 0 : i32
      %dma_start3A_26 = tpu.memref_slice %arg3[%add3A, %dma_start3A_24, %dma_start3A_25] : memref<32x50x128xi32, #tpu.memory_space<hbm>> -> memref<1x50x128xi32, #tpu.memory_space<hbm>>
      %dma_start3A_27 = tpu.memref_squeeze %dma_start3A_26 : memref<1x50x128xi32, #tpu.memory_space<hbm>> -> memref<50x128xi32, #tpu.memory_space<hbm>>
      tpu.enqueue_dma source(%dma_start3A_27 : memref<50x128xi32, #tpu.memory_space<hbm>>) target(%arg5 : memref<50x128xi32, #tpu.memory_space<vmem>>) target_semaphore(%run_scoped3A : memref<!tpu.dma_semaphore, #tpu.memory_space<semaphore_mem>>)
      %dma_wait3A = arith.constant 0 : i32
      %dma_wait3A_28 = arith.constant 0 : i32
      %dma_wait3A_29 = tpu.memref_slice %arg3[%add3A, %dma_wait3A, %dma_wait3A_28] : memref<32x50x128xi32, #tpu.memory_space<hbm>> -> memref<1x50x128xi32, #tpu.memory_space<hbm>>
      %dma_wait3A_30 = tpu.memref_squeeze %dma_wait3A_29 : memref<1x50x128xi32, #tpu.memory_space<hbm>> -> memref<50x128xi32, #tpu.memory_space<hbm>>
      %dma_wait3A_31 = arith.constant 0 : i32
      %dma_wait3A_32 = arith.constant 0 : i32
      %dma_wait3A_33 = tpu.memref_slice %arg3[%add3A, %dma_wait3A_31, %dma_wait3A_32] : memref<32x50x128xi32, #tpu.memory_space<hbm>> -> memref<1x50x128xi32, #tpu.memory_space<hbm>>
      %dma_wait3A_34 = tpu.memref_squeeze %dma_wait3A_33 : memref<1x50x128xi32, #tpu.memory_space<hbm>> -> memref<50x128xi32, #tpu.memory_space<hbm>>
      tpu.wait_dma2 semaphore(%run_scoped3A : memref<!tpu.dma_semaphore, #tpu.memory_space<semaphore_mem>>) src(%dma_wait3A_34 : memref<50x128xi32, #tpu.memory_space<hbm>>) dst(%arg5 : memref<50x128xi32, #tpu.memory_space<vmem>>)
      tpu.yield
    }) : () -> ()
    %dma_start3A = arith.constant 0 : i32
    %dma_start3A_3 = arith.constant 0 : i32
    %dma_start3A_4 = arith.constant 0 : i32
    %dma_start3A_5 = arith.constant 0 : i32
    %dma_start3A_6 = tpu.memref_slice %arg6[%dma_start3A_3, %dma_start3A_4, %dma_start3A_5] : memref<2x128x32xf32, #tpu.memory_space<vmem>> -> memref<1x128x32xf32, #tpu.memory_space<vmem>>
    %dma_start3A_7 = tpu.memref_squeeze %dma_start3A_6 : memref<1x128x32xf32, #tpu.memory_space<vmem>> -> memref<128x32xf32, #tpu.memory_space<vmem>>
    %dma_start3A_8 = arith.constant 0 : i32
    %dma_start3A_9 = tpu.memref_slice %arg5[%dma_start3A, %dma_start3A_8] : memref<50x128xi32, #tpu.memory_space<vmem>> -> memref<1x128xi32, #tpu.memory_space<vmem>>
    %dma_start3A_10 = tpu.memref_squeeze %dma_start3A_9 : memref<1x128xi32, #tpu.memory_space<vmem>> -> memref<128xi32, #tpu.memory_space<vmem>>
    %dma_start3A_11 = arith.constant 0 : i32
    %dma_start3A_12 = arith.constant 0 : i32
    %dma_start3A_13 = tpu.memref_slice %arg2[%dma_start3A_11, %dma_start3A_12] : memref<1003520x32xf32, #tpu.memory_space<hbm>> -> memref<1003520x32xf32, #tpu.memory_space<hbm>>
    tpu.enqueue_indirect_dma source(%dma_start3A_13 : memref<1003520x32xf32, #tpu.memory_space<hbm>>) target(%dma_start3A_7 : memref<128x32xf32, #tpu.memory_space<vmem>>) offsets(%dma_start3A_10 : memref<128xi32, #tpu.memory_space<vmem>>) semaphore(%arg7 : memref<!tpu.dma_semaphore, #tpu.memory_space<semaphore_mem>>)
    %scan3A = arith.constant 0 : i32
    %scan3A_14 = arith.constant 0 : i32
    %scan3A_15 = arith.constant 25 : i32
    %scan3A_16 = arith.addi %scan3A_14, %scan3A_15 : i32
    %scan3A_17 = arith.constant 1 : i32
    %scan3A_18 = scf.for %scan3A_20 = %scan3A_14 to %scan3A_16 step %scan3A_17 iter_args(%scan3A_21 = %scan3A) -> (i32)  : i32 {
      %mul3A_22 = arith.constant 2 : i32
      %mul3A_23 = arith.muli %scan3A_20, %mul3A_22 : i32
      %add3A_24 = arith.constant 1 : i32
      %add3A_25 = arith.addi %mul3A_23, %add3A_24 : i32
      %dma_start3A_26 = arith.constant 1 : i32
      %dma_start3A_27 = arith.constant 0 : i32
      %dma_start3A_28 = arith.constant 0 : i32
      %dma_start3A_29 = tpu.memref_slice %arg6[%dma_start3A_26, %dma_start3A_27, %dma_start3A_28] : memref<2x128x32xf32, #tpu.memory_space<vmem>> -> memref<1x128x32xf32, #tpu.memory_space<vmem>>
      %dma_start3A_30 = tpu.memref_squeeze %dma_start3A_29 : memref<1x128x32xf32, #tpu.memory_space<vmem>> -> memref<128x32xf32, #tpu.memory_space<vmem>>
      %dma_start3A_31 = arith.constant 0 : i32
      %dma_start3A_32 = tpu.memref_slice %arg5[%add3A_25, %dma_start3A_31] : memref<50x128xi32, #tpu.memory_space<vmem>> -> memref<1x128xi32, #tpu.memory_space<vmem>>
      %dma_start3A_33 = tpu.memref_squeeze %dma_start3A_32 : memref<1x128xi32, #tpu.memory_space<vmem>> -> memref<128xi32, #tpu.memory_space<vmem>>
      %dma_start3A_34 = arith.constant 0 : i32
      %dma_start3A_35 = arith.constant 0 : i32
      %dma_start3A_36 = tpu.memref_slice %arg2[%dma_start3A_34, %dma_start3A_35] : memref<1003520x32xf32, #tpu.memory_space<hbm>> -> memref<1003520x32xf32, #tpu.memory_space<hbm>>
      tpu.enqueue_indirect_dma source(%dma_start3A_36 : memref<1003520x32xf32, #tpu.memory_space<hbm>>) target(%dma_start3A_30 : memref<128x32xf32, #tpu.memory_space<vmem>>) offsets(%dma_start3A_33 : memref<128xi32, #tpu.memory_space<vmem>>) semaphore(%arg8 : memref<!tpu.dma_semaphore, #tpu.memory_space<semaphore_mem>>)
      %dma_wait3A = arith.constant 0 : i32
      %dma_wait3A_37 = arith.constant 0 : i32
      %dma_wait3A_38 = arith.constant 0 : i32
      %dma_wait3A_39 = tpu.memref_slice %arg6[%dma_wait3A, %dma_wait3A_37, %dma_wait3A_38] : memref<2x128x32xf32, #tpu.memory_space<vmem>> -> memref<1x128x32xf32, #tpu.memory_space<vmem>>
      %dma_wait3A_40 = tpu.memref_squeeze %dma_wait3A_39 : memref<1x128x32xf32, #tpu.memory_space<vmem>> -> memref<128x32xf32, #tpu.memory_space<vmem>>
      %dma_wait3A_41 = arith.constant 0 : i32
      %dma_wait3A_42 = tpu.memref_slice %arg5[%mul3A_23, %dma_wait3A_41] : memref<50x128xi32, #tpu.memory_space<vmem>> -> memref<1x128xi32, #tpu.memory_space<vmem>>
      %dma_wait3A_43 = tpu.memref_squeeze %dma_wait3A_42 : memref<1x128xi32, #tpu.memory_space<vmem>> -> memref<128xi32, #tpu.memory_space<vmem>>
      %dma_wait3A_44 = arith.constant 0 : i32
      %dma_wait3A_45 = arith.constant 0 : i32
      %dma_wait3A_46 = tpu.memref_slice %arg2[%dma_wait3A_44, %dma_wait3A_45] : memref<1003520x32xf32, #tpu.memory_space<hbm>> -> memref<1003520x32xf32, #tpu.memory_space<hbm>>
      tpu.wait_indirect_dma semaphore(%arg7 : memref<!tpu.dma_semaphore, #tpu.memory_space<semaphore_mem>>) src(%dma_wait3A_46 : memref<1003520x32xf32, #tpu.memory_space<hbm>>) dst(%dma_wait3A_40 : memref<128x32xf32, #tpu.memory_space<vmem>>)
      %mul3A_47 = arith.constant 128 : i32
      %mul3A_48 = arith.muli %mul3A_23, %mul3A_47 : i32
      %add3A_49 = arith.addi %mul3A_2, %mul3A_48 : i32
      %run_scoped3A = arith.constant 0 : i32
      "tpu.region"() ({
        %run_scoped3A_74 = tpu.sem_alloc : memref<!tpu.dma_semaphore, #tpu.memory_space<semaphore_mem>>
        %dma_start3A_75 = arith.constant 0 : i32
        %dma_start3A_76 = arith.constant 0 : i32
        %dma_start3A_77 = tpu.memref_slice %arg6[%run_scoped3A, %dma_start3A_75, %dma_start3A_76] : memref<2x128x32xf32, #tpu.memory_space<vmem>> -> memref<1x128x32xf32, #tpu.memory_space<vmem>>
        %dma_start3A_78 = tpu.memref_squeeze %dma_start3A_77 : memref<1x128x32xf32, #tpu.memory_space<vmem>> -> memref<128x32xf32, #tpu.memory_space<vmem>>
        %dma_start3A_79 = arith.constant 0 : i32
        %dma_start3A_80 = tpu.memref_slice %arg4[%add3A_49, %dma_start3A_79] : memref<204800x128xf32, #tpu.memory_space<hbm>> -> memref<128x32xf32, #tpu.memory_space<hbm>>
        %dma_start3A_81 = arith.constant 0 : i32
        %dma_start3A_82 = tpu.memref_slice %arg4[%add3A_49, %dma_start3A_81] : memref<204800x128xf32, #tpu.memory_space<hbm>> -> memref<128x32xf32, #tpu.memory_space<hbm>>
        %dma_start3A_83 = arith.constant 0 : i32
        %dma_start3A_84 = arith.constant 0 : i32
        %dma_start3A_85 = tpu.memref_slice %arg6[%run_scoped3A, %dma_start3A_83, %dma_start3A_84] : memref<2x128x32xf32, #tpu.memory_space<vmem>> -> memref<1x128x32xf32, #tpu.memory_space<vmem>>
        %dma_start3A_86 = tpu.memref_squeeze %dma_start3A_85 : memref<1x128x32xf32, #tpu.memory_space<vmem>> -> memref<128x32xf32, #tpu.memory_space<vmem>>
        tpu.enqueue_dma source(%dma_start3A_86 : memref<128x32xf32, #tpu.memory_space<vmem>>) target(%dma_start3A_82 : memref<128x32xf32, #tpu.memory_space<hbm>>) target_semaphore(%run_scoped3A_74 : memref<!tpu.dma_semaphore, #tpu.memory_space<semaphore_mem>>)
        %dma_wait3A_87 = arith.constant 0 : i32
        %dma_wait3A_88 = arith.constant 0 : i32
        %dma_wait3A_89 = tpu.memref_slice %arg6[%run_scoped3A, %dma_wait3A_87, %dma_wait3A_88] : memref<2x128x32xf32, #tpu.memory_space<vmem>> -> memref<1x128x32xf32, #tpu.memory_space<vmem>>
        %dma_wait3A_90 = tpu.memref_squeeze %dma_wait3A_89 : memref<1x128x32xf32, #tpu.memory_space<vmem>> -> memref<128x32xf32, #tpu.memory_space<vmem>>
        %dma_wait3A_91 = arith.constant 0 : i32
        %dma_wait3A_92 = tpu.memref_slice %arg4[%add3A_49, %dma_wait3A_91] : memref<204800x128xf32, #tpu.memory_space<hbm>> -> memref<128x32xf32, #tpu.memory_space<hbm>>
        %dma_wait3A_93 = arith.constant 0 : i32
        %dma_wait3A_94 = tpu.memref_slice %arg4[%add3A_49, %dma_wait3A_93] : memref<204800x128xf32, #tpu.memory_space<hbm>> -> memref<128x32xf32, #tpu.memory_space<hbm>>
        %dma_wait3A_95 = arith.constant 0 : i32
        %dma_wait3A_96 = arith.constant 0 : i32
        %dma_wait3A_97 = tpu.memref_slice %arg6[%run_scoped3A, %dma_wait3A_95, %dma_wait3A_96] : memref<2x128x32xf32, #tpu.memory_space<vmem>> -> memref<1x128x32xf32, #tpu.memory_space<vmem>>
        %dma_wait3A_98 = tpu.memref_squeeze %dma_wait3A_97 : memref<1x128x32xf32, #tpu.memory_space<vmem>> -> memref<128x32xf32, #tpu.memory_space<vmem>>
        tpu.wait_dma2 semaphore(%run_scoped3A_74 : memref<!tpu.dma_semaphore, #tpu.memory_space<semaphore_mem>>) src(%dma_wait3A_98 : memref<128x32xf32, #tpu.memory_space<vmem>>) dst(%dma_wait3A_94 : memref<128x32xf32, #tpu.memory_space<hbm>>)
        tpu.yield
      }) : () -> ()
      %add3A_50 = arith.constant 2 : i32
      %add3A_51 = arith.addi %mul3A_23, %add3A_50 : i32
      %lt3A = arith.constant 50 : i32
      %lt3A_52 = arith.cmpi slt, %add3A_51, %lt3A : i32
      %convert_element_type3A = arith.extui %lt3A_52 : i1 to i32
      %cond3A = arith.constant 0 : i32
      %cond3A_53 = arith.cmpi ne, %convert_element_type3A, %cond3A : i32
      scf.if %cond3A_53 {
        %add3A_74 = arith.constant 2 : i32
        %add3A_75 = arith.addi %mul3A_23, %add3A_74 : i32
        %dma_start3A_76 = arith.constant 0 : i32
        %dma_start3A_77 = arith.constant 0 : i32
        %dma_start3A_78 = arith.constant 0 : i32
        %dma_start3A_79 = tpu.memref_slice %arg6[%dma_start3A_76, %dma_start3A_77, %dma_start3A_78] : memref<2x128x32xf32, #tpu.memory_space<vmem>> -> memref<1x128x32xf32, #tpu.memory_space<vmem>>
        %dma_start3A_80 = tpu.memref_squeeze %dma_start3A_79 : memref<1x128x32xf32, #tpu.memory_space<vmem>> -> memref<128x32xf32, #tpu.memory_space<vmem>>
        %dma_start3A_81 = arith.constant 0 : i32
        %dma_start3A_82 = tpu.memref_slice %arg5[%add3A_75, %dma_start3A_81] : memref<50x128xi32, #tpu.memory_space<vmem>> -> memref<1x128xi32, #tpu.memory_space<vmem>>
        %dma_start3A_83 = tpu.memref_squeeze %dma_start3A_82 : memref<1x128xi32, #tpu.memory_space<vmem>> -> memref<128xi32, #tpu.memory_space<vmem>>
        %dma_start3A_84 = arith.constant 0 : i32
        %dma_start3A_85 = arith.constant 0 : i32
        %dma_start3A_86 = tpu.memref_slice %arg2[%dma_start3A_84, %dma_start3A_85] : memref<1003520x32xf32, #tpu.memory_space<hbm>> -> memref<1003520x32xf32, #tpu.memory_space<hbm>>
        tpu.enqueue_indirect_dma source(%dma_start3A_86 : memref<1003520x32xf32, #tpu.memory_space<hbm>>) target(%dma_start3A_80 : memref<128x32xf32, #tpu.memory_space<vmem>>) offsets(%dma_start3A_83 : memref<128xi32, #tpu.memory_space<vmem>>) semaphore(%arg7 : memref<!tpu.dma_semaphore, #tpu.memory_space<semaphore_mem>>)
      } else {
      }
      %add3A_54 = arith.constant 1 : i32
      %add3A_55 = arith.addi %mul3A_23, %add3A_54 : i32
      %dma_wait3A_56 = arith.constant 1 : i32
      %dma_wait3A_57 = arith.constant 0 : i32
      %dma_wait3A_58 = arith.constant 0 : i32
      %dma_wait3A_59 = tpu.memref_slice %arg6[%dma_wait3A_56, %dma_wait3A_57, %dma_wait3A_58] : memref<2x128x32xf32, #tpu.memory_space<vmem>> -> memref<1x128x32xf32, #tpu.memory_space<vmem>>
      %dma_wait3A_60 = tpu.memref_squeeze %dma_wait3A_59 : memref<1x128x32xf32, #tpu.memory_space<vmem>> -> memref<128x32xf32, #tpu.memory_space<vmem>>
      %dma_wait3A_61 = arith.constant 0 : i32
      %dma_wait3A_62 = tpu.memref_slice %arg5[%add3A_55, %dma_wait3A_61] : memref<50x128xi32, #tpu.memory_space<vmem>> -> memref<1x128xi32, #tpu.memory_space<vmem>>
      %dma_wait3A_63 = tpu.memref_squeeze %dma_wait3A_62 : memref<1x128xi32, #tpu.memory_space<vmem>> -> memref<128xi32, #tpu.memory_space<vmem>>
      %dma_wait3A_64 = arith.constant 0 : i32
      %dma_wait3A_65 = arith.constant 0 : i32
      %dma_wait3A_66 = tpu.memref_slice %arg2[%dma_wait3A_64, %dma_wait3A_65] : memref<1003520x32xf32, #tpu.memory_space<hbm>> -> memref<1003520x32xf32, #tpu.memory_space<hbm>>
      tpu.wait_indirect_dma semaphore(%arg8 : memref<!tpu.dma_semaphore, #tpu.memory_space<semaphore_mem>>) src(%dma_wait3A_66 : memref<1003520x32xf32, #tpu.memory_space<hbm>>) dst(%dma_wait3A_60 : memref<128x32xf32, #tpu.memory_space<vmem>>)
      %add3A_67 = arith.constant 1 : i32
      %add3A_68 = arith.addi %mul3A_23, %add3A_67 : i32
      %mul3A_69 = arith.constant 128 : i32
      %mul3A_70 = arith.muli %add3A_68, %mul3A_69 : i32
      %add3A_71 = arith.addi %mul3A_2, %mul3A_70 : i32
      %run_scoped3A_72 = arith.constant 1 : i32
      "tpu.region"() ({
        %run_scoped3A_74 = tpu.sem_alloc : memref<!tpu.dma_semaphore, #tpu.memory_space<semaphore_mem>>
        %dma_start3A_75 = arith.constant 0 : i32
        %dma_start3A_76 = arith.constant 0 : i32
        %dma_start3A_77 = tpu.memref_slice %arg6[%run_scoped3A_72, %dma_start3A_75, %dma_start3A_76] : memref<2x128x32xf32, #tpu.memory_space<vmem>> -> memref<1x128x32xf32, #tpu.memory_space<vmem>>
        %dma_start3A_78 = tpu.memref_squeeze %dma_start3A_77 : memref<1x128x32xf32, #tpu.memory_space<vmem>> -> memref<128x32xf32, #tpu.memory_space<vmem>>
        %dma_start3A_79 = arith.constant 0 : i32
        %dma_start3A_80 = tpu.memref_slice %arg4[%add3A_71, %dma_start3A_79] : memref<204800x128xf32, #tpu.memory_space<hbm>> -> memref<128x32xf32, #tpu.memory_space<hbm>>
        %dma_start3A_81 = arith.constant 0 : i32
        %dma_start3A_82 = tpu.memref_slice %arg4[%add3A_71, %dma_start3A_81] : memref<204800x128xf32, #tpu.memory_space<hbm>> -> memref<128x32xf32, #tpu.memory_space<hbm>>
        %dma_start3A_83 = arith.constant 0 : i32
        %dma_start3A_84 = arith.constant 0 : i32
        %dma_start3A_85 = tpu.memref_slice %arg6[%run_scoped3A_72, %dma_start3A_83, %dma_start3A_84] : memref<2x128x32xf32, #tpu.memory_space<vmem>> -> memref<1x128x32xf32, #tpu.memory_space<vmem>>
        %dma_start3A_86 = tpu.memref_squeeze %dma_start3A_85 : memref<1x128x32xf32, #tpu.memory_space<vmem>> -> memref<128x32xf32, #tpu.memory_space<vmem>>
        tpu.enqueue_dma source(%dma_start3A_86 : memref<128x32xf32, #tpu.memory_space<vmem>>) target(%dma_start3A_82 : memref<128x32xf32, #tpu.memory_space<hbm>>) target_semaphore(%run_scoped3A_74 : memref<!tpu.dma_semaphore, #tpu.memory_space<semaphore_mem>>)
        %dma_wait3A_87 = arith.constant 0 : i32
        %dma_wait3A_88 = arith.constant 0 : i32
        %dma_wait3A_89 = tpu.memref_slice %arg6[%run_scoped3A_72, %dma_wait3A_87, %dma_wait3A_88] : memref<2x128x32xf32, #tpu.memory_space<vmem>> -> memref<1x128x32xf32, #tpu.memory_space<vmem>>
        %dma_wait3A_90 = tpu.memref_squeeze %dma_wait3A_89 : memref<1x128x32xf32, #tpu.memory_space<vmem>> -> memref<128x32xf32, #tpu.memory_space<vmem>>
        %dma_wait3A_91 = arith.constant 0 : i32
        %dma_wait3A_92 = tpu.memref_slice %arg4[%add3A_71, %dma_wait3A_91] : memref<204800x128xf32, #tpu.memory_space<hbm>> -> memref<128x32xf32, #tpu.memory_space<hbm>>
        %dma_wait3A_93 = arith.constant 0 : i32
        %dma_wait3A_94 = tpu.memref_slice %arg4[%add3A_71, %dma_wait3A_93] : memref<204800x128xf32, #tpu.memory_space<hbm>> -> memref<128x32xf32, #tpu.memory_space<hbm>>
        %dma_wait3A_95 = arith.constant 0 : i32
        %dma_wait3A_96 = arith.constant 0 : i32
        %dma_wait3A_97 = tpu.memref_slice %arg6[%run_scoped3A_72, %dma_wait3A_95, %dma_wait3A_96] : memref<2x128x32xf32, #tpu.memory_space<vmem>> -> memref<1x128x32xf32, #tpu.memory_space<vmem>>
        %dma_wait3A_98 = tpu.memref_squeeze %dma_wait3A_97 : memref<1x128x32xf32, #tpu.memory_space<vmem>> -> memref<128x32xf32, #tpu.memory_space<vmem>>
        tpu.wait_dma2 semaphore(%run_scoped3A_74 : memref<!tpu.dma_semaphore, #tpu.memory_space<semaphore_mem>>) src(%dma_wait3A_98 : memref<128x32xf32, #tpu.memory_space<vmem>>) dst(%dma_wait3A_94 : memref<128x32xf32, #tpu.memory_space<hbm>>)
        tpu.yield
      }) : () -> ()
      %scan3A_73 = arith.constant 0 : i32
      scf.yield %scan3A_73 : i32
    }
    %scan3A_19 = arith.constant 25 : i32
    return
  }
}

module attributes {stable_mosaic.version = 14 : i64} {
  func.func @_repack_body(%arg0: i32, %arg1: memref<32x4096xf32, #tpu.memory_space<vmem>>, %arg2: memref<4x32x128xf32, #tpu.memory_space<vmem>>, %arg3: memref<1024x128xf32, #tpu.memory_space<vmem>>) attributes {dimension_semantics = [#tpu.dimension_semantics<arbitrary>], iteration_bounds = array<i64: 245>, scalar_prefetch = 0 : i64, scratch_operands = 0 : i64, tpu.core_type = #tpu.core_type<tc>, window_params = [{transform_indices = @transform_0, window_bounds = array<i64: 32, 4096>}, {pipeline_mode = #tpu.pipeline_mode<synchronous>, transform_indices = @transform_1, window_bounds = array<i64: 4, 32, 128>}, {transform_indices = @transform_2, window_bounds = array<i64: 1024, 128>}]} {
    %broadcast_in_dim3A = arith.constant 0.000000e+00 : f32
    %broadcast_in_dim3A_0 = vector.broadcast %broadcast_in_dim3A : f32 to vector<1024x128xf32>
    %get3A = arith.constant 0 : index
    %get3A_1 = arith.constant 0 : index
    %get3A_2 = vector.load %arg1[%get3A, %get3A_1] : memref<32x4096xf32, #tpu.memory_space<vmem>>, vector<32x1024xf32>
    %get3A_3 = arith.constant 0 : index
    %get3A_4 = arith.constant 0 : index
    %get3A_5 = arith.constant 0 : index
    %get3A_6 = vector.load %arg2[%get3A_3, %get3A_4, %get3A_5] : memref<4x32x128xf32, #tpu.memory_space<vmem>>, vector<1x32x128xf32>
    %get3A_7 = vector.shape_cast %get3A_6 : vector<1x32x128xf32> to vector<32x128xf32>
    %dot_general3A = arith.constant dense<0.000000e+00> : vector<1024x128xf32>
    %dot_general3A_8 = tpu.matmul %get3A_2, %get3A_7, %dot_general3A {dimension_numbers = #tpu.dot_dimension_numbers<[0], [0], [1], [1], [0, 1, 1, 1], [], []>, transpose_lhs_hint = false} : vector<32x1024xf32>, vector<32x128xf32>, vector<1024x128xf32> -> vector<1024x128xf32>
    %add3A = arith.addf %broadcast_in_dim3A_0, %dot_general3A_8 : vector<1024x128xf32>
    %get3A_9 = arith.constant 0 : index
    %get3A_10 = arith.constant 1024 : index
    %get3A_11 = vector.load %arg1[%get3A_9, %get3A_10] : memref<32x4096xf32, #tpu.memory_space<vmem>>, vector<32x1024xf32>
    %get3A_12 = arith.constant 1 : index
    %get3A_13 = arith.constant 0 : index
    %get3A_14 = arith.constant 0 : index
    %get3A_15 = vector.load %arg2[%get3A_12, %get3A_13, %get3A_14] : memref<4x32x128xf32, #tpu.memory_space<vmem>>, vector<1x32x128xf32>
    %get3A_16 = vector.shape_cast %get3A_15 : vector<1x32x128xf32> to vector<32x128xf32>
    %dot_general3A_17 = arith.constant dense<0.000000e+00> : vector<1024x128xf32>
    %dot_general3A_18 = tpu.matmul %get3A_11, %get3A_16, %dot_general3A_17 {dimension_numbers = #tpu.dot_dimension_numbers<[0], [0], [1], [1], [0, 1, 1, 1], [], []>, transpose_lhs_hint = false} : vector<32x1024xf32>, vector<32x128xf32>, vector<1024x128xf32> -> vector<1024x128xf32>
    %add3A_19 = arith.addf %add3A, %dot_general3A_18 : vector<1024x128xf32>
    %get3A_20 = arith.constant 0 : index
    %get3A_21 = arith.constant 2048 : index
    %get3A_22 = vector.load %arg1[%get3A_20, %get3A_21] : memref<32x4096xf32, #tpu.memory_space<vmem>>, vector<32x1024xf32>
    %get3A_23 = arith.constant 2 : index
    %get3A_24 = arith.constant 0 : index
    %get3A_25 = arith.constant 0 : index
    %get3A_26 = vector.load %arg2[%get3A_23, %get3A_24, %get3A_25] : memref<4x32x128xf32, #tpu.memory_space<vmem>>, vector<1x32x128xf32>
    %get3A_27 = vector.shape_cast %get3A_26 : vector<1x32x128xf32> to vector<32x128xf32>
    %dot_general3A_28 = arith.constant dense<0.000000e+00> : vector<1024x128xf32>
    %dot_general3A_29 = tpu.matmul %get3A_22, %get3A_27, %dot_general3A_28 {dimension_numbers = #tpu.dot_dimension_numbers<[0], [0], [1], [1], [0, 1, 1, 1], [], []>, transpose_lhs_hint = false} : vector<32x1024xf32>, vector<32x128xf32>, vector<1024x128xf32> -> vector<1024x128xf32>
    %add3A_30 = arith.addf %add3A_19, %dot_general3A_29 : vector<1024x128xf32>
    %get3A_31 = arith.constant 0 : index
    %get3A_32 = arith.constant 3072 : index
    %get3A_33 = vector.load %arg1[%get3A_31, %get3A_32] : memref<32x4096xf32, #tpu.memory_space<vmem>>, vector<32x1024xf32>
    %get3A_34 = arith.constant 3 : index
    %get3A_35 = arith.constant 0 : index
    %get3A_36 = arith.constant 0 : index
    %get3A_37 = vector.load %arg2[%get3A_34, %get3A_35, %get3A_36] : memref<4x32x128xf32, #tpu.memory_space<vmem>>, vector<1x32x128xf32>
    %get3A_38 = vector.shape_cast %get3A_37 : vector<1x32x128xf32> to vector<32x128xf32>
    %dot_general3A_39 = arith.constant dense<0.000000e+00> : vector<1024x128xf32>
    %dot_general3A_40 = tpu.matmul %get3A_33, %get3A_38, %dot_general3A_39 {dimension_numbers = #tpu.dot_dimension_numbers<[0], [0], [1], [1], [0, 1, 1, 1], [], []>, transpose_lhs_hint = false} : vector<32x1024xf32>, vector<32x128xf32>, vector<1024x128xf32> -> vector<1024x128xf32>
    %add3A_41 = arith.addf %add3A_30, %dot_general3A_40 : vector<1024x128xf32>
    %swap3A = arith.constant 0 : index
    %swap3A_42 = arith.constant 0 : index
    %swap3A_43 = vector.load %arg3[%swap3A, %swap3A_42] : memref<1024x128xf32, #tpu.memory_space<vmem>>, vector<1024x128xf32>
    tpu.vector_store %arg3[%swap3A, %swap3A_42], %add3A_41 {strides = array<i32>} : memref<1024x128xf32, #tpu.memory_space<vmem>>, vector<1024x128xf32>,
    return
  }
  func.func @transform_0(%arg0: i32) -> (i32, i32) {
    %c0_i32 = arith.constant 0 : i32
    %c0_i32_0 = arith.constant 0 : i32
    return %c0_i32, %arg0 : i32, i32
  }
  func.func @transform_1(%arg0: i32) -> (i32, i32, i32) {
    %c0_i32 = arith.constant 0 : i32
    %c0_i32_0 = arith.constant 0 : i32
    %c0_i32_1 = arith.constant 0 : i32
    %c0_i32_2 = arith.constant 0 : i32
    return %c0_i32, %c0_i32_0, %c0_i32_1 : i32, i32, i32
  }
  func.func @transform_2(%arg0: i32) -> (i32, i32) {
    %c0_i32 = arith.constant 0 : i32
    %c0_i32_0 = arith.constant 0 : i32
    return %arg0, %c0_i32 : i32, i32
  }
}

module attributes {stable_mosaic.version = 14 : i64} {
  func.func @_lstm_body(%arg0: i32, %arg1: memref<1x4096x128xf32, #tpu.memory_space<vmem>>, %arg2: memref<32x512xf32, #tpu.memory_space<vmem>>, %arg3: memref<128x512xf32, #tpu.memory_space<vmem>>, %arg4: memref<1x512xf32, #tpu.memory_space<vmem>>, %arg5: memref<128x9xf32, #tpu.memory_space<vmem>>, %arg6: memref<1x9xf32, #tpu.memory_space<vmem>>, %arg7: memref<1x4096x9xf32, #tpu.memory_space<vmem>>, %arg8: memref<4096x128xf32, #tpu.memory_space<vmem>>, %arg9: memref<4096x128xf32, #tpu.memory_space<vmem>>) attributes {dimension_semantics = [#tpu.dimension_semantics<arbitrary>], iteration_bounds = array<i64: 50>, scalar_prefetch = 0 : i64, scratch_operands = 2 : i64, tpu.core_type = #tpu.core_type<tc>, window_params = [{transform_indices = @transform_0, window_bounds = array<i64: 1, 4096, 128>}, {pipeline_mode = #tpu.pipeline_mode<synchronous>, transform_indices = @transform_1, window_bounds = array<i64: 32, 512>}, {pipeline_mode = #tpu.pipeline_mode<synchronous>, transform_indices = @transform_2, window_bounds = array<i64: 128, 512>}, {pipeline_mode = #tpu.pipeline_mode<synchronous>, transform_indices = @transform_3, window_bounds = array<i64: 1, 512>}, {pipeline_mode = #tpu.pipeline_mode<synchronous>, transform_indices = @transform_4, window_bounds = array<i64: 128, 9>}, {pipeline_mode = #tpu.pipeline_mode<synchronous>, transform_indices = @transform_5, window_bounds = array<i64: 1, 9>}, {transform_indices = @transform_6, window_bounds = array<i64: 1, 4096, 9>}]} {
    %eq3A = arith.constant 0 : i32
    %eq3A_0 = arith.cmpi eq, %arg0, %eq3A : i32
    %convert_element_type3A = arith.extui %eq3A_0 : i1 to i32
    %cond3A = arith.constant 0 : i32
    %cond3A_1 = arith.cmpi ne, %convert_element_type3A, %cond3A : i32
    scf.if %cond3A_1 {
      %broadcast_in_dim3A_92 = arith.constant 0.000000e+00 : f32
      %broadcast_in_dim3A_93 = vector.broadcast %broadcast_in_dim3A_92 : f32 to vector<4096x128xf32>
      %swap3A_94 = arith.constant 0 : index
      %swap3A_95 = arith.constant 0 : index
      %swap3A_96 = vector.load %arg8[%swap3A_94, %swap3A_95] : memref<4096x128xf32, #tpu.memory_space<vmem>>, vector<4096x128xf32>
      tpu.vector_store %arg8[%swap3A_94, %swap3A_95], %broadcast_in_dim3A_93 {strides = array<i32>} : memref<4096x128xf32, #tpu.memory_space<vmem>>, vector<4096x128xf32>,
      %broadcast_in_dim3A_97 = arith.constant 0.000000e+00 : f32
      %broadcast_in_dim3A_98 = vector.broadcast %broadcast_in_dim3A_97 : f32 to vector<4096x128xf32>
      %swap3A_99 = arith.constant 0 : index
      %swap3A_100 = arith.constant 0 : index
      %swap3A_101 = vector.load %arg9[%swap3A_99, %swap3A_100] : memref<4096x128xf32, #tpu.memory_space<vmem>>, vector<4096x128xf32>
      tpu.vector_store %arg9[%swap3A_99, %swap3A_100], %broadcast_in_dim3A_98 {strides = array<i32>} : memref<4096x128xf32, #tpu.memory_space<vmem>>, vector<4096x128xf32>,
    } else {
    }
    %get3A = arith.constant 0 : index
    %get3A_2 = arith.constant 0 : index
    %get3A_3 = arith.constant 0 : index
    %get3A_4 = vector.load %arg1[%get3A, %get3A_2, %get3A_3] : memref<1x4096x128xf32, #tpu.memory_space<vmem>>, vector<1x4096x128xf32>
    %get3A_5 = vector.shape_cast %get3A_4 : vector<1x4096x128xf32> to vector<4096x128xf32>
    %slice3A = vector.extract_strided_slice %get3A_5 {offsets = [0, 0], sizes = [4096, 32], strides = [1, 1]} : vector<4096x128xf32> to vector<4096x32xf32>
    %get3A_6 = arith.constant 0 : index
    %get3A_7 = arith.constant 0 : index
    %get3A_8 = vector.load %arg8[%get3A_6, %get3A_7] : memref<4096x128xf32, #tpu.memory_space<vmem>>, vector<4096x128xf32>
    %get3A_9 = arith.constant 0 : index
    %get3A_10 = arith.constant 0 : index
    %get3A_11 = vector.load %arg2[%get3A_9, %get3A_10] : memref<32x512xf32, #tpu.memory_space<vmem>>, vector<32x512xf32>
    %dot_general3A = arith.constant dense<0.000000e+00> : vector<4096x512xf32>
    %dot_general3A_12 = tpu.matmul %slice3A, %get3A_11, %dot_general3A {dimension_numbers = #tpu.dot_dimension_numbers<[1], [0], [0], [1], [0, 0, 1, 1], [], []>, transpose_lhs_hint = false} : vector<4096x32xf32>, vector<32x512xf32>, vector<4096x512xf32> -> vector<4096x512xf32>
    %get3A_13 = arith.constant 0 : index
    %get3A_14 = arith.constant 0 : index
    %get3A_15 = vector.load %arg3[%get3A_13, %get3A_14] : memref<128x512xf32, #tpu.memory_space<vmem>>, vector<128x512xf32>
    %dot_general3A_16 = arith.constant dense<0.000000e+00> : vector<4096x512xf32>
    %dot_general3A_17 = tpu.matmul %get3A_8, %get3A_15, %dot_general3A_16 {dimension_numbers = #tpu.dot_dimension_numbers<[1], [0], [0], [1], [0, 0, 1, 1], [], []>, transpose_lhs_hint = false} : vector<4096x128xf32>, vector<128x512xf32>, vector<4096x512xf32> -> vector<4096x512xf32>
    %add3A = arith.addf %dot_general3A_12, %dot_general3A_17 : vector<4096x512xf32>
    %get3A_18 = arith.constant 0 : index
    %get3A_19 = arith.constant 0 : index
    %get3A_20 = vector.load %arg4[%get3A_18, %get3A_19] : memref<1x512xf32, #tpu.memory_space<vmem>>, vector<1x512xf32>
    %add3A_21 = vector.broadcast %get3A_20 : vector<1x512xf32> to vector<4096x512xf32>
    %add3A_22 = arith.addf %add3A, %add3A_21 : vector<4096x512xf32>
    %slice3A_23 = vector.extract_strided_slice %add3A_22 {offsets = [0, 0], sizes = [4096, 128], strides = [1, 1]} : vector<4096x512xf32> to vector<4096x128xf32>
    %mul3A = arith.constant 5.000000e-01 : f32
    %mul3A_24 = vector.broadcast %mul3A : f32 to vector<4096x128xf32>
    %mul3A_25 = arith.mulf %mul3A_24, %slice3A_23 : vector<4096x128xf32>
    %tanh3A = math.tanh %mul3A_25 : vector<4096x128xf32>
    %mul3A_26 = arith.constant 5.000000e-01 : f32
    %mul3A_27 = vector.broadcast %mul3A_26 : f32 to vector<4096x128xf32>
    %mul3A_28 = arith.mulf %mul3A_27, %tanh3A : vector<4096x128xf32>
    %add3A_29 = arith.constant 5.000000e-01 : f32
    %add3A_30 = vector.broadcast %add3A_29 : f32 to vector<4096x128xf32>
    %add3A_31 = arith.addf %mul3A_28, %add3A_30 : vector<4096x128xf32>
    %slice3A_32 = vector.extract_strided_slice %add3A_22 {offsets = [0, 128], sizes = [4096, 128], strides = [1, 1]} : vector<4096x512xf32> to vector<4096x128xf32>
    %mul3A_33 = arith.constant 5.000000e-01 : f32
    %mul3A_34 = vector.broadcast %mul3A_33 : f32 to vector<4096x128xf32>
    %mul3A_35 = arith.mulf %mul3A_34, %slice3A_32 : vector<4096x128xf32>
    %tanh3A_36 = math.tanh %mul3A_35 : vector<4096x128xf32>
    %mul3A_37 = arith.constant 5.000000e-01 : f32
    %mul3A_38 = vector.broadcast %mul3A_37 : f32 to vector<4096x128xf32>
    %mul3A_39 = arith.mulf %mul3A_38, %tanh3A_36 : vector<4096x128xf32>
    %add3A_40 = arith.constant 5.000000e-01 : f32
    %add3A_41 = vector.broadcast %add3A_40 : f32 to vector<4096x128xf32>
    %add3A_42 = arith.addf %mul3A_39, %add3A_41 : vector<4096x128xf32>
    %slice3A_43 = vector.extract_strided_slice %add3A_22 {offsets = [0, 256], sizes = [4096, 128], strides = [1, 1]} : vector<4096x512xf32> to vector<4096x128xf32>
    %tanh3A_44 = math.tanh %slice3A_43 : vector<4096x128xf32>
    %slice3A_45 = vector.extract_strided_slice %add3A_22 {offsets = [0, 384], sizes = [4096, 128], strides = [1, 1]} : vector<4096x512xf32> to vector<4096x128xf32>
    %mul3A_46 = arith.constant 5.000000e-01 : f32
    %mul3A_47 = vector.broadcast %mul3A_46 : f32 to vector<4096x128xf32>
    %mul3A_48 = arith.mulf %mul3A_47, %slice3A_45 : vector<4096x128xf32>
    %tanh3A_49 = math.tanh %mul3A_48 : vector<4096x128xf32>
    %mul3A_50 = arith.constant 5.000000e-01 : f32
    %mul3A_51 = vector.broadcast %mul3A_50 : f32 to vector<4096x128xf32>
    %mul3A_52 = arith.mulf %mul3A_51, %tanh3A_49 : vector<4096x128xf32>
    %add3A_53 = arith.constant 5.000000e-01 : f32
    %add3A_54 = vector.broadcast %add3A_53 : f32 to vector<4096x128xf32>
    %add3A_55 = arith.addf %mul3A_52, %add3A_54 : vector<4096x128xf32>
    %get3A_56 = arith.constant 0 : index
    %get3A_57 = arith.constant 0 : index
    %get3A_58 = vector.load %arg9[%get3A_56, %get3A_57] : memref<4096x128xf32, #tpu.memory_space<vmem>>, vector<4096x128xf32>
    %mul3A_59 = arith.mulf %add3A_42, %get3A_58 : vector<4096x128xf32>
    %mul3A_60 = arith.mulf %add3A_31, %tanh3A_44 : vector<4096x128xf32>
    %add3A_61 = arith.addf %mul3A_59, %mul3A_60 : vector<4096x128xf32>
    %tanh3A_62 = math.tanh %add3A_61 : vector<4096x128xf32>
    %mul3A_63 = arith.mulf %add3A_55, %tanh3A_62 : vector<4096x128xf32>
    %swap3A = arith.constant 0 : index
    %swap3A_64 = arith.constant 0 : index
    %swap3A_65 = vector.load %arg8[%swap3A, %swap3A_64] : memref<4096x128xf32, #tpu.memory_space<vmem>>, vector<4096x128xf32>
    tpu.vector_store %arg8[%swap3A, %swap3A_64], %mul3A_63 {strides = array<i32>} : memref<4096x128xf32, #tpu.memory_space<vmem>>, vector<4096x128xf32>,
    %swap3A_66 = arith.constant 0 : index
    %swap3A_67 = arith.constant 0 : index
    %swap3A_68 = vector.load %arg9[%swap3A_66, %swap3A_67] : memref<4096x128xf32, #tpu.memory_space<vmem>>, vector<4096x128xf32>
    tpu.vector_store %arg9[%swap3A_66, %swap3A_67], %add3A_61 {strides = array<i32>} : memref<4096x128xf32, #tpu.memory_space<vmem>>, vector<4096x128xf32>,
    %get3A_69 = arith.constant 0 : index
    %get3A_70 = arith.constant 0 : index
    %get3A_71 = vector.load %arg5[%get3A_69, %get3A_70] : memref<128x9xf32, #tpu.memory_space<vmem>>, vector<128x9xf32>
    %dot_general3A_72 = arith.constant dense<0.000000e+00> : vector<4096x9xf32>
    %dot_general3A_73 = tpu.matmul %mul3A_63, %get3A_71, %dot_general3A_72 {dimension_numbers = #tpu.dot_dimension_numbers<[1], [0], [0], [1], [0, 0, 1, 1], [], []>, transpose_lhs_hint = false} : vector<4096x128xf32>, vector<128x9xf32>, vector<4096x9xf32> -> vector<4096x9xf32>
    %get3A_74 = arith.constant 0 : index
    %get3A_75 = arith.constant 0 : index
    %get3A_76 = vector.load %arg6[%get3A_74, %get3A_75] : memref<1x9xf32, #tpu.memory_space<vmem>>, vector<1x9xf32>
    %add3A_77 = vector.broadcast %get3A_76 : vector<1x9xf32> to vector<4096x9xf32>
    %add3A_78 = arith.addf %dot_general3A_73, %add3A_77 : vector<4096x9xf32>
    %reduce_max3A = arith.constant dense<0xFF800000> : vector<4096xf32>
    %reduce_max3A_79 = vector.multi_reduction <maximumf>, %add3A_78, %reduce_max3A [1] : vector<4096x9xf32> to vector<4096xf32>
    %broadcast_in_dim3A = vector.shape_cast %reduce_max3A_79 : vector<4096xf32> to vector<4096x1xf32>
    %sub3A = vector.broadcast %broadcast_in_dim3A : vector<4096x1xf32> to vector<4096x9xf32>
    %sub3A_80 = arith.subf %add3A_78, %sub3A : vector<4096x9xf32>
    %exp3A = math.exp %sub3A_80 : vector<4096x9xf32>
    %reduce_sum3A = arith.constant dense<0.000000e+00> : vector<4096xf32>
    %reduce_sum3A_81 = vector.multi_reduction <add>, %exp3A, %reduce_sum3A [1] : vector<4096x9xf32> to vector<4096xf32>
    %broadcast_in_dim3A_82 = vector.shape_cast %reduce_sum3A_81 : vector<4096xf32> to vector<4096x1xf32>
    %log3A = math.log %broadcast_in_dim3A_82 : vector<4096x1xf32>
    %add3A_83 = arith.addf %log3A, %broadcast_in_dim3A : vector<4096x1xf32>
    %sub3A_84 = vector.broadcast %add3A_83 : vector<4096x1xf32> to vector<4096x9xf32>
    %sub3A_85 = arith.subf %add3A_78, %sub3A_84 : vector<4096x9xf32>
    %swap3A_86 = arith.constant 0 : index
    %swap3A_87 = arith.constant 0 : index
    %swap3A_88 = arith.constant 0 : index
    %swap3A_89 = vector.load %arg7[%swap3A_86, %swap3A_87, %swap3A_88] : memref<1x4096x9xf32, #tpu.memory_space<vmem>>, vector<1x4096x9xf32>
    %swap3A_90 = vector.shape_cast %swap3A_89 : vector<1x4096x9xf32> to vector<4096x9xf32>
    %swap3A_91 = vector.shape_cast %sub3A_85 : vector<4096x9xf32> to vector<1x4096x9xf32>
    tpu.vector_store %arg7[%swap3A_86, %swap3A_87, %swap3A_88], %swap3A_91 {strides = array<i32>} : memref<1x4096x9xf32, #tpu.memory_space<vmem>>, vector<1x4096x9xf32>,
    return
  }
  func.func @transform_0(%arg0: i32) -> (i32, i32, i32) {
    %c0_i32 = arith.constant 0 : i32
    %c0_i32_0 = arith.constant 0 : i32
    %c0_i32_1 = arith.constant 0 : i32
    return %arg0, %c0_i32, %c0_i32_0 : i32, i32, i32
  }
  func.func @transform_1(%arg0: i32) -> (i32, i32) {
    %c0_i32 = arith.constant 0 : i32
    %c0_i32_0 = arith.constant 0 : i32
    %c0_i32_1 = arith.constant 0 : i32
    return %c0_i32, %c0_i32_0 : i32, i32
  }
  func.func @transform_2(%arg0: i32) -> (i32, i32) {
    %c0_i32 = arith.constant 0 : i32
    %c0_i32_0 = arith.constant 0 : i32
    %c0_i32_1 = arith.constant 0 : i32
    return %c0_i32, %c0_i32_0 : i32, i32
  }
  func.func @transform_3(%arg0: i32) -> (i32, i32) {
    %c0_i32 = arith.constant 0 : i32
    %c0_i32_0 = arith.constant 0 : i32
    %c0_i32_1 = arith.constant 0 : i32
    return %c0_i32, %c0_i32_0 : i32, i32
  }
  func.func @transform_4(%arg0: i32) -> (i32, i32) {
    %c0_i32 = arith.constant 0 : i32
    %c0_i32_0 = arith.constant 0 : i32
    %c0_i32_1 = arith.constant 0 : i32
    return %c0_i32, %c0_i32_0 : i32, i32
  }
  func.func @transform_5(%arg0: i32) -> (i32, i32) {
    %c0_i32 = arith.constant 0 : i32
    %c0_i32_0 = arith.constant 0 : i32
    %c0_i32_1 = arith.constant 0 : i32
    return %c0_i32, %c0_i32_0 : i32, i32
  }
  func.func @transform_6(%arg0: i32) -> (i32, i32, i32) {
    %c0_i32 = arith.constant 0 : i32
    %c0_i32_0 = arith.constant 0 : i32
    %c0_i32_1 = arith.constant 0 : i32
    return %arg0, %c0_i32, %c0_i32_0 : i32, i32, i32
  }
}

</mosaic_0001>

<sc_bundles>
// kernel: kernel.5.cloned.1.call-start
scs
__scs_entry_jumppad:
0x0: {  	(pc) =	sbr.rel $0x88, $3  }
0x1: {  	(tag) =	ssettag $0x0;
	lr =	simm.s32 $0x1  }
0x2: {  	[smem:$0x3F99] =	sst lr;
	_ =	strace $0xD0000000  }
0x3: {  	_ = 	snop  }
0x4: {  	_ = 	snop  }
0x5: {  	_ = 	snop  }
0x6: {  	_ = 	snop  }
0x7: {  	_ = 	snop  }
__scs_overlays_trampoline_lowered:
0x8: {  	[smem:$0x3FA8] =	sst s0  }
0x9: {  	[smem:$0x3FA9] =	sst s1  }
0xa: {  	[smem:$0x3FAA] =	sst s2  }
0xb: {  	[smem:$0x3FAB] =	sst s3  }
0xc: {  	[smem:$0x3FAC] =	sst s4  }
0xd: {  	[smem:$0x3FAD] =	sst s5  }
0xe: {  	[smem:$0x3FAE] =	sst s6  }
0xf: {  	[smem:$0x3FAF] =	sst s7  }
0x10: {  	[smem:$0x3FB0] =	sst s8  }
0x11: {  	[smem:$0x3FB1] =	sst s9;
	s0 =	simm.s32 @!p0 $0x0  }
0x12: {  	s1 =	sld [smem:$0x3F97];
	s0 =	simm.s32 @p0 $0x1  }
0x13: {  	[smem:$0x3FB2] =	sst s0;
	s0 =	simm.s32 @!p1 $0x0  }
0x14: {  	s2 =	sld [smem:$0x3F96];
	s0 =	simm.s32 @p1 $0x1  }
0x15: {  	[smem:$0x3FB3] =	sst s0;
	s0 =	simm.s32 @!p2 $0x0  }
0x16: {  	s3 =	sld [smem:$0x3FDB];
	s0 =	simm.s32 @p2 $0x1  }
0x17: {  	s4 =	simm.s32 $0x1BF5;
	[smem:$0x3FB5] =	sst s0  }
0x18: {  	s0 =	sld [smem:$0x3F98];
	_ =	swait.ge [sflag:s4], $0x0  }
0x19: {  	s7 =	sld [smem:$0x3F99]  }
0x1a: {  	s8 =	sadd.s32 $0xFFFFE003, lr  }
0x1b: {  	s9 =	sadd.s32 $0xFFFFFEF7, lr;
	s5 =	simm.s32 $0xFFFFFFFF;
	p2 =	slt.u32 s8, $0xFFFFF086  }
0x1c: {  	p1 =	slt.u32 s9, $0xF7A;
	s5 =	simm.s32 @!p2 $0x0  }
0x1d: {  	s5 =	simm.s32 @p1 $0x1;
	p0 =	seq.s32 s7, s2  }
0x1e: {  	s7 =	smul.u32 @!p0 $0xF7A, s2;
	p2 =	seq.s32 @!p0 s5, $0x0  }
0x1f: {  	s9 =	smul.u32 $0xF7A, s1;
	s8 =	simm.s32 @!p0 $0x1BF5;
	p2 =	por !p2, p0  }
0x20: {  	[sflag:s8] =	ssyncset.s32 @!p0 $0xFFFFF086;
	s6 =	sadd.s32 @!p0 s3, s7;
	s7 =	simm.s32 @!p0 $0x108  }
0x21: {  	s3 =	sadd.s32 s3, s9;
	s6 =	sadd.s32 @!p0 $0x88, s6;
	s7 =	simm.s32 @p2 $0x1082  }
0x22: {  	[simem:s7], [sflag:s8] =	dma.local @!p0 [hbm:s6], $0xF7A  }
0x23: {  	s9 =	sor.u32 $0xD0000000, s2;
	s6 =	simm.s32 $0x108;
	_ =	swait.ge @!p0 [sflag:s8], $0x0  }
0x24: {  	s3 =	sadd.s32 $0x88, s3;
	s6 =	simm.s32 @!p1 $0x1082;
	[sflag:s4] =	ssyncset.s32 $0xFFFFF086  }
0x25: {  	[simem:s6], [sflag:s4] =	dma.local [hbm:s3], $0xF7A  }
0x26: {  	[smem:$0x3F99] =	sst s1;
	(tag) =	ssettag s2;
	_ =	strace s9  }
0x27: {  	s1 =	sld [smem:$0x3FA9]  }
0x28: {  	s2 =	sld [smem:$0x3FAA]  }
0x29: {  	s4 =	sld [smem:$0x3FAC]  }
0x2a: {  	p0 =	seq.s32 s5, $0x0;
	s5 =	sld [smem:$0x3FAD]  }
0x2b: {  	s6 =	sld [smem:$0x3FAE]  }
0x2c: {  	s7 =	sld [smem:$0x3FAF]  }
0x2d: {  	s3 =	simm.s32 $0x108;
	s8 =	sld [smem:$0x3FB0]  }
0x2e: {  	s3 =	simm.s32 @!p0 $0x1082;
	s9 =	sld [smem:$0x3FB1]  }
0x2f: {  	lr =	sadd.s32 s0, s3;
	s0 =	sld [smem:$0x3FA8]  }
0x30: {  	s3 =	sld [smem:$0x3FAB]  }
0x31: {  	[smem:$0x3FB4] =	sst s10  }
0x32: {  	s10 =	sld [smem:$0x3FB2];
	_ =	sdelay $0x3  }
0x33: {  	p0 =	seq.s32 s10, $0x1;
	s10 =	sld [smem:$0x3FB4];
	_ =	sdelay $0x3  }
0x34: {  	[smem:$0x3FB4] =	sst s10  }
0x35: {  	s10 =	sld [smem:$0x3FB3];
	_ =	sdelay $0x3  }
0x36: {  	p1 =	seq.s32 s10, $0x1;
	s10 =	sld [smem:$0x3FB4];
	_ =	sdelay $0x3  }
0x37: {  	[smem:$0x3FB4] =	sst s10  }
0x38: {  	s10 =	sld [smem:$0x3FB5]  }
0x39: {  	_ = 	snop;
	(pc) =	sbr.ind lr, $3  }
0x3a: {  	_ = 	snop  }
0x3b: {  	_ = 	snop  }
0x3c: {  	p2 =	seq.s32 s10, $0x1;
	s10 =	sld [smem:$0x3FB4]  }
0x3d: {  	_ =	shalt  }
0x3e: {  	_ =	shalt  }
0x3f: {  	_ =	shalt  }
0x40: {  	_ =	shalt  }
0x41: {  	_ =	shalt  }
0x42: {  	_ =	shalt  }
0x43: {  	_ =	shalt  }
0x44: {  	_ =	shalt  }
0x45: {  	_ =	shalt  }
0x46: {  	_ =	shalt  }
0x47: {  	_ =	shalt  }
0x48: {  	_ =	shalt  }
0x49: {  	_ =	shalt  }
0x4a: {  	_ =	shalt  }
0x4b: {  	_ =	shalt  }
0x4c: {  	_ =	shalt  }
0x4d: {  	_ =	shalt  }
0x4e: {  	_ =	shalt  }
0x4f: {  	_ =	shalt  }
0x50: {  	_ =	shalt  }
0x51: {  	_ =	shalt  }
0x52: {  	_ =	shalt  }
0x53: {  	_ =	shalt  }
0x54: {  	_ =	shalt  }
0x55: {  	_ =	shalt  }
0x56: {  	_ =	shalt  }
0x57: {  	_ =	shalt  }
0x58: {  	_ =	shalt  }
0x59: {  	_ =	shalt  }
0x5a: {  	_ =	shalt  }
0x5b: {  	_ =	shalt  }
0x5c: {  	_ =	shalt  }
0x5d: {  	_ =	shalt  }
0x5e: {  	_ =	shalt  }
0x5f: {  	_ =	shalt  }
0x60: {  	_ =	shalt  }
0x61: {  	_ =	shalt  }
0x62: {  	_ =	shalt  }
0x63: {  	_ =	shalt  }
0x64: {  	_ =	shalt  }
0x65: {  	_ =	shalt  }
0x66: {  	_ =	shalt  }
0x67: {  	_ =	shalt  }
0x68: {  	_ =	shalt  }
0x69: {  	_ =	shalt  }
0x6a: {  	_ =	shalt  }
0x6b: {  	_ =	shalt  }
0x6c: {  	_ =	shalt  }
0x6d: {  	_ =	shalt  }
0x6e: {  	_ =	shalt  }
0x6f: {  	_ =	shalt  }
0x70: {  	_ =	shalt  }
0x71: {  	_ =	shalt  }
0x72: {  	_ =	shalt  }
0x73: {  	_ =	shalt  }
0x74: {  	_ =	shalt  }
0x75: {  	_ =	shalt  }
0x76: {  	_ =	shalt  }
0x77: {  	_ =	shalt  }
0x78: {  	_ =	shalt  }
0x79: {  	_ =	shalt  }
0x7a: {  	_ =	shalt  }
0x7b: {  	_ =	shalt  }
0x7c: {  	_ =	shalt  }
0x7d: {  	_ =	shalt  }
0x7e: {  	_ =	shalt  }
0x7f: {  	_ =	shalt  }
0x80: {  	_ =	shalt  }
0x81: {  	_ =	shalt  }
0x82: {  	_ =	shalt  }
0x83: {  	_ =	shalt  }
0x84: {  	_ =	shalt  }
0x85: {  	_ =	shalt  }
0x86: {  	_ =	shalt  }
0x87: {  	_ =	shalt  }
.Lfunc_end0:
.L_simem_size_0:
called_computation_lowered:
.L_overlay_start_0:
0x88: {  	s2 =	sld [smem:$0x3FD9]  }
0x89: {  	s3 =	sld [smem:$0x3FFE];
	_ =	sdelay $0x1  }
0x8a: {  	s1 =	srdreg.scid  }
0x8b: {  	s0 =	sand.u32 $0x1, s1  }
0x8c: {  	s17 =	sshll.u32 s0, $0xA;
	s2 =	sadd.s32 s3, s2  }
0x8d: {  	s2 =	sadd.s32 s2, s17  }
0x8e: {  	[smem:$0x3FC0] =	sst s2  }
0x8f: {  	_ = 	snop  }
0x90: {  	s2 =	sld [smem:$0x3FD0];
	(tm) =	ssettm $0x1  }
0x91: {  	s18 =	sld [smem:$0x3FFB];
	_ =	sdelay $0x3  }
0x92: {  	_ =	strace s18  }
0x93: {  	s3 =	sld [smem:$0x3FFC];
	_ =	sdelay $0x3  }
0x94: {  	_ =	strace s3  }
0x95: {  	s3 =	sld [smem:$0x3FFD];
	_ =	sdelay $0x3  }
0x96: {  	_ =	strace s3  }
0x97: {  	_ =	strace $0x8FFFFFFF  }
0x98: {  	s19 =	sld [smem:$0x3FDB];
	_ =	sdelay $0x1  }
0x99: {  	s4 =	simm.s32 $_scs_section_size  }
0x9a: {  	s5 =	simm.s32 $_size__tile_overlayer_lowered;
	s6 =	simm.s32 $_tile_overlayer_lowered  }
0x9b: {  	s22 =	simm.s32 $0x1BFF;
	s21 =	sshll.u32 s6, $0x1;
	s3 =	sadd.s32 s4, s19  }
0x9c: {  	s7 =	simm.s32 $0x0;
	s20 =	sshll.u32 s5, $0x1;
	s5 =	sadd.s32 s21, s3  }
0x9d: {  	[timem:s7], [sflag:s22] =	dma.local [hbm:s5], s20  }
0x9e: {  	_ =	swait.ge [sflag:s22], s20  }
0x9f: {  	s4 =	ssub.s32 $0x0, s20;
	[sflag:s22] =	ssyncset.done $0x0  }
0xa0: {  	[sflag:s22] =	ssyncadd.s32 s4;
	_ =	sdelay $0x1  }
0xa1: {  	s23 =	simm.s32 $0x1B8B  }
0xa2: {  	_ =	swait.ge [sflag:s23], $0x1  }
0xa3: {  	[sflag:s23] =	ssyncset.done $0x0  }
0xa4: {  	s25 =	simm.s32 $0x1B8E;
	s24 =	sld [smem:$0x3FFE];
	[sflag:s23] =	ssyncadd.s32 $0xFFFFFFFF  }
0xa5: {  	s26 =	simm.s32 $execute0_lowered;
	[smem:$0x3FD2] =	sst s25  }
0xa6: {  	s5 =	sshll.u32 s26, $0x1;
	_ =	strace $0x80000046;
	[dreg:$0x1] =	wrdreg $0xFFFFFFFF  }
0xa7: {  	s28 =	simm.s32 $_size_execute0_lowered;
	s3 =	sadd.s32 s3, s5;
	[dreg:$0x0] =	wrdreg $0x0  }
0xa8: {  	s5 =	sshll.u32 s28, $0x1;
	[dreg:$0x2] =	wrdreg s3  }
0xa9: {  	[dreg:$0x3] =	wrdreg s5  }
0xaa: {  	[dreg:$0x4] =	wrdreg $0xC0  }
0xab: {  	_ =	task [dreg:s7], $0x5FFFF  }
0xac: {  	[dreg:$0x1] =	wrdreg $0xFFFFFFFF  }
0xad: {  	[dreg:$0x0] =	wrdreg $0x60  }
0xae: {  	[dreg:$0x2] =	wrdreg s24  }
0xaf: {  	[dreg:$0x3] =	wrdreg s2  }
0xb0: {  	[dreg:$0x4] =	wrdreg $0x9  }
0xb1: {  	_ =	task.clear_ibuf [dreg:s7], $0x5FFFF;
	_ =	strace $0x90000046  }
0xb2: {  	s29 =	simm.s32 $0x9;
	_ =	strace $0x80000048  }
0xb3: {  	_ =	swait.ge [sflag:s29], $0x1  }
0xb4: {  	[sflag:s29] =	ssyncadd.s32 $0xFFFFFFFF  }
0xb5: {  	_ =	strace $0x90000048  }
0xb6: {  	_ =	sfence  }
0xb7: {  	s30 =	sld [smem:$0x0];
	_ =	sdelay $0x2  }
0xb8: {  	s31 =	sshll.u32 s1, $0xD;
	s1 =	sshrl.u32 s1, $0x2  }
0xb9: {  	s3 =	sand.u32 $0x4000, s31;
	s1 =	sadd.s32 s1, s30  }
0xba: {  	s0 =	sor.u32 s3, s0;
	s1 =	sshll.u32 s1, $0x11  }
0xbb: {  	s0 =	sor.u32 s1, s0  }
0xbc: {  	s0 =	sadd.s32 $0x8F2B, s0  }
0xbd: {  	[sflag:s0] =	ssyncadd.remote.s32 $0x1  }
0xbe: {  	_ =	sfence.sel $0xFFFF  }
0xbf: {  	[dreg:$0x0] =	wrdreg $0xFFFFFFFF;
	(pc) =	sbr.abs _section_cstart, $3  }
0xc0: {  	[dreg:$0x1] =	wrdreg $0xFFFFFFFF  }
0xc1: {  	_ =	task.clear_ibuf [dreg:s7], $0x2FFFF;
	_ =	strace $0x9FFFFFFF  }
0xc2: {  	(tm) =	ssettm $0x7FFFFFFF  }
0xc3: {  	_ =	shalt  }
tec
execute0_lowered:
.L_overlay_start_1:
0x0: {  	(tag) =	ssettag $0x1  }
0x1: {  	s4 =	rddreg [dreg:$0x0];
	s1 =	srdreg.scid  }
0x2: {  	s0 =	stileid.u32;
	s5 =	rddreg [dreg:$0x1];
	s2 =	simm.s32 $0x0  }
0x3: {  	s14 =	simm.s32 $0x1;
	s15 =	simm.s32 $0x20;
	s16 =	simm.s32 $0x2  }
0x4: {  	s17 =	simm.s32 $0x1880;
	s18 =	simm.s32 $0x0;
	s11 =	smul.u32 $0x190000, s0  }
0x5: {  	s6 =	sand.u32 $0x1, s1;
	s1 =	rddreg [dreg:$0x2];
	s13 =	smul.u32 $0x3200, s0  }
0x6: {  	s3 =	sshll.u32 s0, $0x1;
	[smem:$0x7FF] =	sst s2;
	s26 =	smul.u32 $0x1900, s6  }
0x7: {  	s10 =	sadd.s32 $0x3D5000, s4;
	s7 =	sor.u32 s6, s3;
	s28 =	smul.u32 $0xC8000, s6  }
0x8: {  	_ =	strace $0x80000047;
	s25 =	ssub.s32 $0x2, s6;
	s8 =	smul.u32 $0x1900, s7  }
0x9: {  	s3 =	sadd.s32 $0x1000, s4;
	s9 =	smul.u32 $0xC8000, s7;
	s12 =	sshrl.u32 s25, $0x1  }
0xa: {  	s7 =	smul.u32 $0x19000, s7;
	s12 =	ssub.s32 s25, s12;
	s30 =	sadd.s32 s28, s11  }
0xb: {  	s11 =	simm.s32 $0x1900;
	s8 =	sshrl.u32 s8, $0x3;
	s9 =	sshrl.u32 s9, $0x3  }
0xc: {  	s7 =	sadd.s32 s10, s7;
	s4 =	sadd.s32 s5, s8;
	s5 =	smax.u32 s12, $0x1  }
0xd: {  	s29 =	sadd.s32 s10, s9;
	s8 =	sadd.s32 s26, s13;
	s9 =	sshrl.u32 s30, $0x3  }
0xe: {  	s7 =	sadd.s32 $0x18800, s7;
	s12 =	simm.s32 $0x80;
	s8 =	sshll.u32 s8, $0x4  }
0xf: {  	s13 =	simm.s32 $0x2900;
	s6 =	sadd.s32 $0x18000, s29;
	s31 =	sadd.s32 s8, s10  }
0x10: {  	s8 =	sadd.s32 s9, s10;
	s10 =	simm.s32 $0x3;
	s9 =	sadd.s32 $0x800, s31  }
.LBB2_1:
0x11: {  	[tilespmem:s2], [sflag:$0x3] =	stream.linear.gather [hbm4b:s4+s2], $0x1900, $0x38;
	[tilespmem:$0x3900] =	vst v63  }
0x12: {  	_ =	swait.ge [sflag:s10], $0x1900  }
0x13: {  	[sflag:s10] =	ssyncset.done $0x0  }
0x14: {  	[sflag:s10] =	ssyncadd.s32 $0xFFFFE700  }
0x15: {  	[tilespmem:s11], [sflag:$0x1] =	stream.indirect.gather [hbm4b:s3+s12], $0x20, s2, s12, $0xb8;
	[tilespmem:$0x3900] =	vst v63  }
0x16: {  	_ = 	snop  }
0x17: {  	[tilespmem:s13], [sflag:$0x2] =	stream.indirect.gather [hbm4b:s3+s12], $0x20, s12, s12, $0xb8;
	[tilespmem:$0x3900] =	vst v63  }
0x18: {  	_ =	swait.ge [sflag:s14], $0x1000  }
0x19: {  	[sflag:s14] =	ssyncset.done $0x0  }
0x1a: {  	s19 =	sadd.s32 $0x0, s8;
	[sflag:s14] =	ssyncadd.s32 $0xFFFFF000  }
0x1b: {  	[hbm4b:s19+s15] =	stream.strided.scatter [tilespmem:s11], [sflag:$0x3], $0x1000, s12, s15, $0x38;
	[tilespmem:$0x3900] =	vst v63  }
0x1c: {  	_ =	swait.ge [sflag:s10], $0x1000  }
0x1d: {  	[sflag:s10] =	ssyncset.done $0x0  }
0x1e: {  	s30 =	simm.s32 $0x100;
	[sflag:s10] =	ssyncadd.s32 $0xFFFFF000  }
0x1f: {  	[tilespmem:s11], [sflag:$0x1] =	stream.indirect.gather [hbm4b:s3+s12], $0x20, s30, s12, $0xb8;
	[tilespmem:$0x3900] =	vst v63  }
0x20: {  	_ =	swait.ge [sflag:s16], $0x1000  }
0x21: {  	[sflag:s16] =	ssyncset.done $0x0  }
0x22: {  	s31 =	sadd.s32 $0x0, s9;
	[sflag:s16] =	ssyncadd.s32 $0xFFFFF000  }
0x23: {  	[hbm4b:s31+s15] =	stream.strided.scatter [tilespmem:s13], [sflag:$0x3], $0x1000, s12, s15, $0x38;
	[tilespmem:$0x3900] =	vst v63  }
0x24: {  	_ =	swait.ge [sflag:s10], $0x1000  }
0x25: {  	s20 =	simm.s32 $0x80;
	s19 =	simm.s32 $0x1000;
	[sflag:s10] =	ssyncset.done $0x0  }
.LBB2_2:
0x26: {  	p0 =	sne.s32 s19, $0x17000;
	[sflag:s10] =	ssyncadd.s32 $0xFFFFF000;
	s20 =	sadd.s32 $0x100, s20  }
0x27: {  	[tilespmem:s13], [sflag:$0x2] =	stream.indirect.gather [hbm4b:s3+s12], $0x20, s20, s12, $0xb8;
	[tilespmem:$0x3900] =	vst v63  }
0x28: {  	s21 =	smov.u32 s19;
	s19 =	sadd.s32 $0x1000, s19;
	_ =	swait.ge [sflag:s14], $0x1000  }
0x29: {  	[sflag:s14] =	ssyncset.done $0x0  }
0x2a: {  	s22 =	sadd.s32 s21, s8;
	[sflag:s14] =	ssyncadd.s32 $0xFFFFF000  }
0x2b: {  	[hbm4b:s22+s15] =	stream.strided.scatter [tilespmem:s11], [sflag:$0x3], $0x1000, s12, s15, $0x38;
	[tilespmem:$0x3900] =	vst v63  }
0x2c: {  	_ =	swait.ge [sflag:s10], $0x1000  }
0x2d: {  	[sflag:s10] =	ssyncset.done $0x0  }
0x2e: {  	s22 =	sadd.s32 $0x80, s20;
	[sflag:s10] =	ssyncadd.s32 $0xFFFFF000  }
0x2f: {  	[tilespmem:s11], [sflag:$0x1] =	stream.indirect.gather [hbm4b:s3+s12], $0x20, s22, s12, $0xb8;
	[tilespmem:$0x3900] =	vst v63  }
0x30: {  	_ =	swait.ge [sflag:s16], $0x1000  }
.Ltmp0:
0x31: {  	[sflag:s16] =	ssyncset.done $0x0;
	(pc) =	sbr.rel @p0 .LBB2_2-.Ltmp0, $4  }
0x32: {  	s21 =	sadd.s32 s21, s9;
	[sflag:s16] =	ssyncadd.s32 $0xFFFFF000  }
0x33: {  	[hbm4b:s21+s15] =	stream.strided.scatter [tilespmem:s13], [sflag:$0x3], $0x1000, s12, s15, $0x38;
	[tilespmem:$0x3900] =	vst v63  }
0x34: {  	_ =	swait.ge [sflag:s10], $0x1000  }
0x35: {  	[sflag:s10] =	ssyncset.done $0x0  }
0x36: {  	[sflag:s10] =	ssyncadd.s32 $0xFFFFF000  }
0x37: {  	[tilespmem:s13], [sflag:$0x2] =	stream.indirect.gather [hbm4b:s3+s12], $0x20, s17, s12, $0xb8;
	[tilespmem:$0x3900] =	vst v63  }
0x38: {  	_ =	swait.ge [sflag:s14], $0x1000  }
0x39: {  	[sflag:s14] =	ssyncset.done $0x0  }
0x3a: {  	[sflag:s14] =	ssyncadd.s32 $0xFFFFF000  }
0x3b: {  	[hbm4b:s6+s15] =	stream.strided.scatter [tilespmem:s11], [sflag:$0x3], $0x1000, s12, s15, $0x38;
	[tilespmem:$0x3900] =	vst v63  }
0x3c: {  	_ =	swait.ge [sflag:s10], $0x1000  }
0x3d: {  	[sflag:s10] =	ssyncset.done $0x0  }
0x3e: {  	[sflag:s10] =	ssyncadd.s32 $0xFFFFF000  }
0x3f: {  	s18 =	sadd.s32 $0x1, s18;
	_ =	swait.ge [sflag:s16], $0x1000  }
0x40: {  	p0 =	sne.s32 s18, s5;
	[sflag:s16] =	ssyncset.done $0x0  }
.Ltmp1:
0x41: {  	[sflag:s16] =	ssyncadd.s32 $0xFFFFF000;
	(pc) =	sbr.rel @p0 .LBB2_1-.Ltmp1, $4  }
0x42: {  	[hbm4b:s7+s15] =	stream.strided.scatter [tilespmem:s13], [sflag:$0x3], $0x1000, s12, s15, $0x38;
	[tilespmem:$0x3900] =	vst v63  }
0x43: {  	_ =	swait.ge [sflag:s10], $0x1000  }
0x44: {  	[sflag:s10] =	ssyncset.done $0x0  }
0x45: {  	[sflag:s10] =	ssyncadd.s32 $0xFFFFF000  }
0x46: {  	_ =	sfence.sel $0x180000  }
0x47: {  	[bflag:$0x0] =	sbarrier.arrive $0xFFFF  }
0x48: {  	p0 =	sne.s32 s0, $0x0;
	_ =	strace $0x90000047  }
0x49: {  	s0 =	sadd.s32 @!p0 $0x100000, s1;
	[bflag:$0x2] =	sbarrier.arrive $0xFFFF  }
0x4a: {  	[sflag:s0] =	ssyncadd.tile.s32 @!p0 $0x1;
	_ =	shalt  }
.Lfunc_end2:
_tile_overlayer_lowered:
.L_overlay_start_2:
0x4b: {  	(tag) =	ssettag $0x2  }
0x4c: {  	s0 =	rddreg [dreg:$0x0];
	s2 =	stileid.u32  }
0x4d: {  	s1 =	rddreg [dreg:$0x1];
	p0 =	sne.s32 s2, $0x0  }
0x4e: {  	s3 =	rddreg [dreg:$0x2];
	[bflag:$0x3] =	sbarrier.arrive $0xFFFF;
	s2 =	simm.s32 @!p0 $0x1C03  }
0x4f: {  	[timem:s3], [sflag:s2] =	dma.local @!p0 [hbm:s0], s1  }
0x50: {  	s0 =	simm.s32 @!p0 $0x3  }
0x51: {  	_ =	swait.ge @!p0 [sflag:s0], s1  }
0x52: {  	s1 =	ssub.s32 @!p0 $0x0, s1;
	[sflag:s0] =	ssyncset.done @!p0 $0x0  }
0x53: {  	[sflag:s0] =	ssyncadd.s32 @!p0 s1  }
0x54: {  	[bflag:$0x3] =	sbarrier.arrive $0xFFFF  }
0x55: {  	_ =	shalt  }

</sc_bundles>
